<compile_context>
chip_gen: v7x
topology: tpu7x:2x2x1
jax: 0.10.2.dev20260603
libtpu: 0.0.44.dev20260713+nightly
codegen_flags: <defaults>
</compile_context>

<pallas_src>
import functools

import jax
import jax.numpy as jnp
from jax import lax
from jax.experimental import pallas as pl
from jax.experimental.pallas import tpu as pltpu
from jax.experimental.pallas import tpu_sc as plsc

_B, _N, _D = 8, 50000, 128
_K = 200
_NC, _NS = 2, 16
_WPB = 4
_CHUNK = 64
_LAST = _K - _CHUNK

_mesh = plsc.VectorSubcoreMesh(core_axis_name="c", subcore_axis_name="s")


@functools.partial(
    pl.kernel,
    mesh=_mesh,
    out_type=(
        jax.ShapeDtypeStruct((_B * _K, _D), jnp.float32),
        jax.ShapeDtypeStruct((_B * _K, _D), jnp.float32),
    ),
    scratch_types=[
        pltpu.VMEM((_CHUNK,), jnp.int32),
        pltpu.VMEM((_CHUNK, _D), jnp.float32),
        pltpu.SemaphoreType.DMA,
    ],
)
def _sc_gather(table_hbm, idx_hbm, out_a, out_b, idx_v, rows_v, sem):
    wid = lax.axis_index("s") * _NC + lax.axis_index("c")
    b = wid // _WPB
    w4 = wid % _WPB
    base = b * _K + jnp.minimum(w4 * _CHUNK, _LAST)
    pltpu.sync_copy(idx_hbm.at[pl.ds(base, _CHUNK)], idx_v)
    pltpu.async_copy(table_hbm.at[idx_v], rows_v, sem).wait()
    cp_a = pltpu.async_copy(rows_v, out_a.at[pl.ds(base, _CHUNK)], sem)
    cp_b = pltpu.async_copy(rows_v, out_b.at[pl.ds(base, _CHUNK)], sem)
    cp_a.wait()
    cp_b.wait()


def kernel(feature, tail_id):
    table = feature.reshape(_B * _N, _D)
    gidx = (tail_id + jnp.arange(_B, dtype=jnp.int32)[:, None] * _N).reshape(
        _B * _K
    )
    out_a, out_b = _sc_gather(table, gidx)
    shape = (_B, _K, _D)
    return (out_a.reshape(shape), out_b.reshape(shape))

# --- scband reference (transcript-rebuilt; emitter-appended) ---
"""Pipeline reference for scband-model-68461778698644 (READ-ONLY COPY).

The authoritative reference and input builder live on the scoring server;
editing this copy changes nothing except your own understanding.
"""

import jax, jax.numpy as jnp
import numpy as np

B, N, D = 8, 50000, 128
K = 200

def setup_inputs(seed: int = 0):
    key = jax.random.key(seed)
    k1, k2 = jax.random.split(key)
    feature = jax.random.normal(k1, (B, N, D), dtype=jnp.float32)
    tail_id = jax.random.randint(k2, (B, K), 0, N, dtype=jnp.int32)
    return {"feature": feature, "tail_id": tail_id}

def reference(feature, tail_id):
    # torch: feature.gather(1, tail_id.unsqueeze(-1).expand(-1, -1, D))
    idx = jnp.broadcast_to(tail_id[:, :, None], tail_id.shape + (feature.shape[-1],))
    tail_feature_gather = jnp.take_along_axis(feature, idx, axis=1)
    # nbfnet_utils.batch_index_select(feature, tail_id): per-batch row select
    tail_feature_custom = jax.vmap(lambda f, ids: jnp.take(f, ids, axis=0))(feature, tail_id)
    return (tail_feature_gather, tail_feature_custom)

if __name__ == "__main__":
    import jax
    _d = setup_inputs()
    print(jax.jit(kernel)(*tuple(_d.values())))

</pallas_src>

<mosaic_0001>
#map = affine_map<(d0, d1) -> (0, 0)>
#map1 = affine_map<(d0, d1) -> (0)>
module attributes {stable_mosaic.version = 14 : i64} {
  func.func @_sc_gather(%arg0: i32, %arg1: i32, %arg2: memref<400000x128xf32, #tpu.memory_space<hbm>>, %arg3: memref<1600xi32, #tpu.memory_space<hbm>>, %arg4: memref<1600x128xf32, #tpu.memory_space<hbm>>, %arg5: memref<1600x128xf32, #tpu.memory_space<hbm>>, %arg6: memref<64xi32, #tpu.memory_space<vmem>>, %arg7: memref<64x128xf32, #tpu.memory_space<vmem>>, %arg8: memref<!tpu.dma_semaphore, #tpu.memory_space<semaphore_mem>>) attributes {dimension_semantics = [#tpu.dimension_semantics<core_parallel>, #tpu.dimension_semantics<subcore_parallel>], iteration_bounds = array<i64: 2, 16>, scalar_prefetch = 0 : i64, scratch_operands = 3 : i64, tpu.core_type = #tpu.core_type<sc_vector_subcore>, window_params = [{transform_indices = #map}, {transform_indices = #map1}, {transform_indices = #map}, {transform_indices = #map}]} {
    %mul3A = arith.constant 2 : i32
    %mul3A_0 = arith.muli %arg1, %mul3A : i32
    %add3A = arith.addi %mul3A_0, %arg0 : i32
    %jit3A = arith.constant 4 : i32
    %div3A = arith.divsi %add3A, %jit3A : i32
    %sign3A = arith.constant 0 : i32
    %sign3A_1 = arith.cmpi sgt, %add3A, %sign3A : i32
    %sign3A_2 = arith.extui %sign3A_1 : i1 to i32
    %sign3A_3 = arith.constant 0 : i32
    %sign3A_4 = arith.cmpi slt, %add3A, %sign3A_3 : i32
    %sign3A_5 = arith.extui %sign3A_4 : i1 to i32
    %sign3A_6 = arith.subi %sign3A_2, %sign3A_5 : i32
    %sign3A_7 = arith.constant 0 : i32
    %sign3A_8 = arith.cmpi sgt, %jit3A, %sign3A_7 : i32
    %sign3A_9 = arith.extui %sign3A_8 : i1 to i32
    %sign3A_10 = arith.constant 0 : i32
    %sign3A_11 = arith.cmpi slt, %jit3A, %sign3A_10 : i32
    %sign3A_12 = arith.extui %sign3A_11 : i1 to i32
    %sign3A_13 = arith.subi %sign3A_9, %sign3A_12 : i32
    %ne3A = arith.cmpi ne, %sign3A_6, %sign3A_13 : i32
    %rem3A = arith.remsi %add3A, %jit3A : i32
    %ne3A_14 = arith.constant 0 : i32
    %ne3A_15 = arith.cmpi ne, %rem3A, %ne3A_14 : i32
    %and3A = arith.andi %ne3A, %ne3A_15 : i1
    %sub3A = arith.constant 1 : i32
    %sub3A_16 = arith.subi %div3A, %sub3A : i32
    %select_n3A = arith.select %and3A, %sub3A_16, %div3A : i32
    %jit3A_17 = arith.constant 4 : i32
    %eq3A = arith.constant 0 : i32
    %eq3A_18 = arith.cmpi eq, %jit3A_17, %eq3A : i32
    %jit3A_19 = arith.constant 1 : i32
    %select_n3A_20 = arith.select %eq3A_18, %jit3A_19, %jit3A_17 : i32
    %rem3A_21 = arith.remsi %add3A, %select_n3A_20 : i32
    %ne3A_22 = arith.constant 0 : i32
    %ne3A_23 = arith.cmpi ne, %rem3A_21, %ne3A_22 : i32
    %lt3A = arith.constant 0 : i32
    %lt3A_24 = arith.cmpi slt, %rem3A_21, %lt3A : i32
    %lt3A_25 = arith.constant 0 : i32
    %lt3A_26 = arith.cmpi slt, %select_n3A_20, %lt3A_25 : i32
    %ne3A_27 = arith.xori %lt3A_24, %lt3A_26 : i1
    %and3A_28 = arith.andi %ne3A_27, %ne3A_23 : i1
    %add3A_29 = arith.addi %rem3A_21, %select_n3A_20 : i32
    %select_n3A_30 = arith.select %and3A_28, %add3A_29, %rem3A_21 : i32
    %mul3A_31 = arith.constant 200 : i32
    %mul3A_32 = arith.muli %select_n3A, %mul3A_31 : i32
    %mul3A_33 = arith.constant 64 : i32
    %mul3A_34 = arith.muli %select_n3A_30, %mul3A_33 : i32
    %min3A = arith.constant 136 : i32
    %min3A_35 = arith.minsi %mul3A_34, %min3A : i32
    %add3A_36 = arith.addi %mul3A_32, %min3A_35 : i32
    "tpu.region"() ({
      %run_scoped3A = tpu.sem_alloc : memref<!tpu.dma_semaphore, #tpu.memory_space<semaphore_mem>>
      %dma_start3A_57 = tpu.memref_slice %arg3[%add3A_36] : memref<1600xi32, #tpu.memory_space<hbm>> -> memref<64xi32, #tpu.memory_space<hbm>>
      %dma_start3A_58 = tpu.memref_slice %arg3[%add3A_36] : memref<1600xi32, #tpu.memory_space<hbm>> -> memref<64xi32, #tpu.memory_space<hbm>>
      tpu.enqueue_dma source(%dma_start3A_58 : memref<64xi32, #tpu.memory_space<hbm>>) target(%arg6 : memref<64xi32, #tpu.memory_space<vmem>>) target_semaphore(%run_scoped3A : memref<!tpu.dma_semaphore, #tpu.memory_space<semaphore_mem>>)
      %dma_wait3A_59 = tpu.memref_slice %arg3[%add3A_36] : memref<1600xi32, #tpu.memory_space<hbm>> -> memref<64xi32, #tpu.memory_space<hbm>>
      %dma_wait3A_60 = tpu.memref_slice %arg3[%add3A_36] : memref<1600xi32, #tpu.memory_space<hbm>> -> memref<64xi32, #tpu.memory_space<hbm>>
      tpu.wait_dma2 semaphore(%run_scoped3A : memref<!tpu.dma_semaphore, #tpu.memory_space<semaphore_mem>>) src(%dma_wait3A_60 : memref<64xi32, #tpu.memory_space<hbm>>) dst(%arg6 : memref<64xi32, #tpu.memory_space<vmem>>)
      tpu.yield
    }) : () -> ()
    %dma_start3A = arith.constant 0 : i32
    %dma_start3A_37 = arith.constant 0 : i32
    %dma_start3A_38 = tpu.memref_slice %arg2[%dma_start3A, %dma_start3A_37] : memref<400000x128xf32, #tpu.memory_space<hbm>> -> memref<400000x128xf32, #tpu.memory_space<hbm>>
    tpu.enqueue_indirect_dma source(%dma_start3A_38 : memref<400000x128xf32, #tpu.memory_space<hbm>>) target(%arg7 : memref<64x128xf32, #tpu.memory_space<vmem>>) offsets(%arg6 : memref<64xi32, #tpu.memory_space<vmem>>) semaphore(%arg8 : memref<!tpu.dma_semaphore, #tpu.memory_space<semaphore_mem>>)
    %dma_wait3A = arith.constant 0 : i32
    %dma_wait3A_39 = arith.constant 0 : i32
    %dma_wait3A_40 = tpu.memref_slice %arg2[%dma_wait3A, %dma_wait3A_39] : memref<400000x128xf32, #tpu.memory_space<hbm>> -> memref<400000x128xf32, #tpu.memory_space<hbm>>
    tpu.wait_indirect_dma semaphore(%arg8 : memref<!tpu.dma_semaphore, #tpu.memory_space<semaphore_mem>>) src(%dma_wait3A_40 : memref<400000x128xf32, #tpu.memory_space<hbm>>) dst(%arg7 : memref<64x128xf32, #tpu.memory_space<vmem>>)
    %dma_start3A_41 = arith.constant 0 : i32
    %dma_start3A_42 = tpu.memref_slice %arg4[%add3A_36, %dma_start3A_41] : memref<1600x128xf32, #tpu.memory_space<hbm>> -> memref<64x128xf32, #tpu.memory_space<hbm>>
    %dma_start3A_43 = arith.constant 0 : i32
    %dma_start3A_44 = tpu.memref_slice %arg4[%add3A_36, %dma_start3A_43] : memref<1600x128xf32, #tpu.memory_space<hbm>> -> memref<64x128xf32, #tpu.memory_space<hbm>>
    tpu.enqueue_dma source(%arg7 : memref<64x128xf32, #tpu.memory_space<vmem>>) target(%dma_start3A_44 : memref<64x128xf32, #tpu.memory_space<hbm>>) target_semaphore(%arg8 : memref<!tpu.dma_semaphore, #tpu.memory_space<semaphore_mem>>)
    %dma_start3A_45 = arith.constant 0 : i32
    %dma_start3A_46 = tpu.memref_slice %arg5[%add3A_36, %dma_start3A_45] : memref<1600x128xf32, #tpu.memory_space<hbm>> -> memref<64x128xf32, #tpu.memory_space<hbm>>
    %dma_start3A_47 = arith.constant 0 : i32
    %dma_start3A_48 = tpu.memref_slice %arg5[%add3A_36, %dma_start3A_47] : memref<1600x128xf32, #tpu.memory_space<hbm>> -> memref<64x128xf32, #tpu.memory_space<hbm>>
    tpu.enqueue_dma source(%arg7 : memref<64x128xf32, #tpu.memory_space<vmem>>) target(%dma_start3A_48 : memref<64x128xf32, #tpu.memory_space<hbm>>) target_semaphore(%arg8 : memref<!tpu.dma_semaphore, #tpu.memory_space<semaphore_mem>>)
    %dma_wait3A_49 = arith.constant 0 : i32
    %dma_wait3A_50 = tpu.memref_slice %arg4[%add3A_36, %dma_wait3A_49] : memref<1600x128xf32, #tpu.memory_space<hbm>> -> memref<64x128xf32, #tpu.memory_space<hbm>>
    %dma_wait3A_51 = arith.constant 0 : i32
    %dma_wait3A_52 = tpu.memref_slice %arg4[%add3A_36, %dma_wait3A_51] : memref<1600x128xf32, #tpu.memory_space<hbm>> -> memref<64x128xf32, #tpu.memory_space<hbm>>
    tpu.wait_dma2 semaphore(%arg8 : memref<!tpu.dma_semaphore, #tpu.memory_space<semaphore_mem>>) src(%arg7 : memref<64x128xf32, #tpu.memory_space<vmem>>) dst(%dma_wait3A_52 : memref<64x128xf32, #tpu.memory_space<hbm>>)
    %dma_wait3A_53 = arith.constant 0 : i32
    %dma_wait3A_54 = tpu.memref_slice %arg5[%add3A_36, %dma_wait3A_53] : memref<1600x128xf32, #tpu.memory_space<hbm>> -> memref<64x128xf32, #tpu.memory_space<hbm>>
    %dma_wait3A_55 = arith.constant 0 : i32
    %dma_wait3A_56 = tpu.memref_slice %arg5[%add3A_36, %dma_wait3A_55] : memref<1600x128xf32, #tpu.memory_space<hbm>> -> memref<64x128xf32, #tpu.memory_space<hbm>>
    tpu.wait_dma2 semaphore(%arg8 : memref<!tpu.dma_semaphore, #tpu.memory_space<semaphore_mem>>) src(%arg7 : memref<64x128xf32, #tpu.memory_space<vmem>>) dst(%dma_wait3A_56 : memref<64x128xf32, #tpu.memory_space<hbm>>)
    return
  }
}

</mosaic_0001>

<sc_bundles>
// kernel: kernel.3.cloned.1.call-start
scs
__scs_entry_jumppad:
0x0: {  	(pc) =	sbr.rel $0x88, $3  }
0x1: {  	(tag) =	ssettag $0x0;
	lr =	simm.s32 $0x1  }
0x2: {  	[smem:$0x3F9F] =	sst lr;
	_ =	strace $0xD0000000  }
0x3: {  	_ = 	snop  }
0x4: {  	_ = 	snop  }
0x5: {  	_ = 	snop  }
0x6: {  	_ = 	snop  }
0x7: {  	_ = 	snop  }
__scs_overlays_trampoline_lowered:
0x8: {  	[smem:$0x3FAE] =	sst s0  }
0x9: {  	[smem:$0x3FAF] =	sst s1  }
0xa: {  	[smem:$0x3FB0] =	sst s2  }
0xb: {  	[smem:$0x3FB1] =	sst s3  }
0xc: {  	[smem:$0x3FB2] =	sst s4  }
0xd: {  	[smem:$0x3FB3] =	sst s5  }
0xe: {  	[smem:$0x3FB4] =	sst s6  }
0xf: {  	[smem:$0x3FB5] =	sst s7  }
0x10: {  	[smem:$0x3FB6] =	sst s8  }
0x11: {  	[smem:$0x3FB7] =	sst s9;
	s0 =	simm.s32 @!p0 $0x0  }
0x12: {  	s1 =	sld [smem:$0x3F9D];
	s0 =	simm.s32 @p0 $0x1  }
0x13: {  	[smem:$0x3FB8] =	sst s0;
	s0 =	simm.s32 @!p1 $0x0  }
0x14: {  	s2 =	sld [smem:$0x3F9C];
	s0 =	simm.s32 @p1 $0x1  }
0x15: {  	[smem:$0x3FB9] =	sst s0;
	s0 =	simm.s32 @!p2 $0x0  }
0x16: {  	s3 =	sld [smem:$0x3FDB];
	s0 =	simm.s32 @p2 $0x1  }
0x17: {  	s4 =	simm.s32 $0x1BF5;
	[smem:$0x3FBB] =	sst s0  }
0x18: {  	s0 =	sld [smem:$0x3F9E];
	_ =	swait.ge [sflag:s4], $0x0  }
0x19: {  	s7 =	sld [smem:$0x3F9F]  }
0x1a: {  	s8 =	sadd.s32 $0xFFFFE003, lr  }
0x1b: {  	s9 =	sadd.s32 $0xFFFFFEF7, lr;
	s5 =	simm.s32 $0xFFFFFFFF;
	p2 =	slt.u32 s8, $0xFFFFF086  }
0x1c: {  	p1 =	slt.u32 s9, $0xF7A;
	s5 =	simm.s32 @!p2 $0x0  }
0x1d: {  	s5 =	simm.s32 @p1 $0x1;
	p0 =	seq.s32 s7, s2  }
0x1e: {  	s7 =	smul.u32 @!p0 $0xF7A, s2;
	p2 =	seq.s32 @!p0 s5, $0x0  }
0x1f: {  	s9 =	smul.u32 $0xF7A, s1;
	s8 =	simm.s32 @!p0 $0x1BF5;
	p2 =	por !p2, p0  }
0x20: {  	[sflag:s8] =	ssyncset.s32 @!p0 $0xFFFFF086;
	s6 =	sadd.s32 @!p0 s3, s7;
	s7 =	simm.s32 @!p0 $0x108  }
0x21: {  	s3 =	sadd.s32 s3, s9;
	s6 =	sadd.s32 @!p0 $0x88, s6;
	s7 =	simm.s32 @p2 $0x1082  }
0x22: {  	[simem:s7], [sflag:s8] =	dma.local @!p0 [hbm:s6], $0xF7A  }
0x23: {  	s9 =	sor.u32 $0xD0000000, s2;
	s6 =	simm.s32 $0x108;
	_ =	swait.ge @!p0 [sflag:s8], $0x0  }
0x24: {  	s3 =	sadd.s32 $0x88, s3;
	s6 =	simm.s32 @!p1 $0x1082;
	[sflag:s4] =	ssyncset.s32 $0xFFFFF086  }
0x25: {  	[simem:s6], [sflag:s4] =	dma.local [hbm:s3], $0xF7A  }
0x26: {  	[smem:$0x3F9F] =	sst s1;
	(tag) =	ssettag s2;
	_ =	strace s9  }
0x27: {  	s1 =	sld [smem:$0x3FAF]  }
0x28: {  	s2 =	sld [smem:$0x3FB0]  }
0x29: {  	s4 =	sld [smem:$0x3FB2]  }
0x2a: {  	p0 =	seq.s32 s5, $0x0;
	s5 =	sld [smem:$0x3FB3]  }
0x2b: {  	s6 =	sld [smem:$0x3FB4]  }
0x2c: {  	s7 =	sld [smem:$0x3FB5]  }
0x2d: {  	s3 =	simm.s32 $0x108;
	s8 =	sld [smem:$0x3FB6]  }
0x2e: {  	s3 =	simm.s32 @!p0 $0x1082;
	s9 =	sld [smem:$0x3FB7]  }
0x2f: {  	lr =	sadd.s32 s0, s3;
	s0 =	sld [smem:$0x3FAE]  }
0x30: {  	s3 =	sld [smem:$0x3FB1]  }
0x31: {  	[smem:$0x3FBA] =	sst s10  }
0x32: {  	s10 =	sld [smem:$0x3FB8];
	_ =	sdelay $0x3  }
0x33: {  	p0 =	seq.s32 s10, $0x1;
	s10 =	sld [smem:$0x3FBA];
	_ =	sdelay $0x3  }
0x34: {  	[smem:$0x3FBA] =	sst s10  }
0x35: {  	s10 =	sld [smem:$0x3FB9];
	_ =	sdelay $0x3  }
0x36: {  	p1 =	seq.s32 s10, $0x1;
	s10 =	sld [smem:$0x3FBA];
	_ =	sdelay $0x3  }
0x37: {  	[smem:$0x3FBA] =	sst s10  }
0x38: {  	s10 =	sld [smem:$0x3FBB]  }
0x39: {  	_ = 	snop;
	(pc) =	sbr.ind lr, $3  }
0x3a: {  	_ = 	snop  }
0x3b: {  	_ = 	snop  }
0x3c: {  	p2 =	seq.s32 s10, $0x1;
	s10 =	sld [smem:$0x3FBA]  }
0x3d: {  	_ =	shalt  }
0x3e: {  	_ =	shalt  }
0x3f: {  	_ =	shalt  }
0x40: {  	_ =	shalt  }
0x41: {  	_ =	shalt  }
0x42: {  	_ =	shalt  }
0x43: {  	_ =	shalt  }
0x44: {  	_ =	shalt  }
0x45: {  	_ =	shalt  }
0x46: {  	_ =	shalt  }
0x47: {  	_ =	shalt  }
0x48: {  	_ =	shalt  }
0x49: {  	_ =	shalt  }
0x4a: {  	_ =	shalt  }
0x4b: {  	_ =	shalt  }
0x4c: {  	_ =	shalt  }
0x4d: {  	_ =	shalt  }
0x4e: {  	_ =	shalt  }
0x4f: {  	_ =	shalt  }
0x50: {  	_ =	shalt  }
0x51: {  	_ =	shalt  }
0x52: {  	_ =	shalt  }
0x53: {  	_ =	shalt  }
0x54: {  	_ =	shalt  }
0x55: {  	_ =	shalt  }
0x56: {  	_ =	shalt  }
0x57: {  	_ =	shalt  }
0x58: {  	_ =	shalt  }
0x59: {  	_ =	shalt  }
0x5a: {  	_ =	shalt  }
0x5b: {  	_ =	shalt  }
0x5c: {  	_ =	shalt  }
0x5d: {  	_ =	shalt  }
0x5e: {  	_ =	shalt  }
0x5f: {  	_ =	shalt  }
0x60: {  	_ =	shalt  }
0x61: {  	_ =	shalt  }
0x62: {  	_ =	shalt  }
0x63: {  	_ =	shalt  }
0x64: {  	_ =	shalt  }
0x65: {  	_ =	shalt  }
0x66: {  	_ =	shalt  }
0x67: {  	_ =	shalt  }
0x68: {  	_ =	shalt  }
0x69: {  	_ =	shalt  }
0x6a: {  	_ =	shalt  }
0x6b: {  	_ =	shalt  }
0x6c: {  	_ =	shalt  }
0x6d: {  	_ =	shalt  }
0x6e: {  	_ =	shalt  }
0x6f: {  	_ =	shalt  }
0x70: {  	_ =	shalt  }
0x71: {  	_ =	shalt  }
0x72: {  	_ =	shalt  }
0x73: {  	_ =	shalt  }
0x74: {  	_ =	shalt  }
0x75: {  	_ =	shalt  }
0x76: {  	_ =	shalt  }
0x77: {  	_ =	shalt  }
0x78: {  	_ =	shalt  }
0x79: {  	_ =	shalt  }
0x7a: {  	_ =	shalt  }
0x7b: {  	_ =	shalt  }
0x7c: {  	_ =	shalt  }
0x7d: {  	_ =	shalt  }
0x7e: {  	_ =	shalt  }
0x7f: {  	_ =	shalt  }
0x80: {  	_ =	shalt  }
0x81: {  	_ =	shalt  }
0x82: {  	_ =	shalt  }
0x83: {  	_ =	shalt  }
0x84: {  	_ =	shalt  }
0x85: {  	_ =	shalt  }
0x86: {  	_ =	shalt  }
0x87: {  	_ =	shalt  }
.Lfunc_end0:
.L_simem_size_0:
called_computation_lowered:
.L_overlay_start_0:
0x88: {  	s2 =	sld [smem:$0x3FD9]  }
0x89: {  	s3 =	sld [smem:$0x3FFE];
	_ =	sdelay $0x1  }
0x8a: {  	s1 =	srdreg.scid  }
0x8b: {  	s0 =	sand.u32 $0x1, s1  }
0x8c: {  	s14 =	sshll.u32 s0, $0xA;
	s2 =	sadd.s32 s3, s2  }
0x8d: {  	s2 =	sadd.s32 s2, s14  }
0x8e: {  	[smem:$0x3FC6] =	sst s2  }
0x8f: {  	_ = 	snop  }
0x90: {  	s2 =	sld [smem:$0x3FD0];
	_ =	sdelay $0x2  }
0x91: {  	s4 =	simm.s32 $0xA;
	s5 =	simm.s32 $0x10;
	s15 =	sld [smem:$0x3FC9]  }
0x92: {  	[smem:s5], [sflag:s4] =	dma.local [hbm:s2], $0x1  }
0x93: {  	_ =	swait.eq [sflag:s4], $0x1  }
0x94: {  	[sflag:s4] =	ssyncset.done $0x0  }
0x95: {  	s16 =	sld [smem:$0x10];
	[sflag:s4] =	ssyncadd.s32 $0xFFFFFFFF  }
0x96: {  	s17 =	sld [smem:$0x11];
	(tm) =	ssettm $0x1  }
0x97: {  	s18 =	sld [smem:$0x3FFB];
	_ =	sdelay $0x3  }
0x98: {  	_ =	strace s18  }
0x99: {  	s5 =	sld [smem:$0x3FFC];
	_ =	sdelay $0x3  }
0x9a: {  	_ =	strace s5  }
0x9b: {  	s5 =	sld [smem:$0x3FFD];
	_ =	sdelay $0x3  }
0x9c: {  	_ =	strace s5  }
0x9d: {  	_ =	strace $0x8FFFFFFF  }
0x9e: {  	s19 =	sld [smem:$0x3FDB];
	_ =	sdelay $0x1  }
0x9f: {  	s6 =	simm.s32 $_scs_section_size  }
0xa0: {  	s7 =	simm.s32 $_size__tile_overlayer_lowered;
	s8 =	simm.s32 $_tile_overlayer_lowered  }
0xa1: {  	s22 =	simm.s32 $0x1BFF;
	s21 =	sshll.u32 s8, $0x1;
	s5 =	sadd.s32 s6, s19  }
0xa2: {  	s9 =	simm.s32 $0x0;
	s20 =	sshll.u32 s7, $0x1;
	s7 =	sadd.s32 s21, s5  }
0xa3: {  	[timem:s9], [sflag:s22] =	dma.local [hbm:s7], s20  }
0xa4: {  	_ =	swait.ge [sflag:s22], s20  }
0xa5: {  	s6 =	ssub.s32 $0x0, s20;
	[sflag:s22] =	ssyncset.done $0x0  }
0xa6: {  	[sflag:s22] =	ssyncadd.s32 s6;
	_ =	sdelay $0x1  }
0xa7: {  	s23 =	simm.s32 $0x1B8B  }
0xa8: {  	_ =	swait.ge [sflag:s23], $0x1  }
0xa9: {  	[sflag:s23] =	ssyncset.done $0x0  }
0xaa: {  	s25 =	simm.s32 $0x1B8E;
	s24 =	sld [smem:$0x3FFE];
	[sflag:s23] =	ssyncadd.s32 $0xFFFFFFFF  }
0xab: {  	s26 =	simm.s32 $execute0_lowered;
	[smem:$0x3FD2] =	sst s25  }
0xac: {  	s7 =	sshll.u32 s26, $0x1;
	_ =	strace $0x80000046;
	[dreg:$0x1] =	wrdreg $0xFFFFFFFF  }
0xad: {  	s28 =	simm.s32 $_size_execute0_lowered;
	s5 =	sadd.s32 s5, s7;
	[dreg:$0x0] =	wrdreg $0x0  }
0xae: {  	s7 =	sshll.u32 s28, $0x1;
	[dreg:$0x2] =	wrdreg s5  }
0xaf: {  	[dreg:$0x3] =	wrdreg s7  }
0xb0: {  	[dreg:$0x4] =	wrdreg $0xC0  }
0xb1: {  	_ =	task [dreg:s9], $0x5FFFF  }
0xb2: {  	[dreg:$0x1] =	wrdreg $0xFFFFFFFF  }
0xb3: {  	[dreg:$0x0] =	wrdreg $0x60  }
0xb4: {  	[dreg:$0x2] =	wrdreg s15  }
0xb5: {  	[dreg:$0x3] =	wrdreg s24  }
0xb6: {  	[dreg:$0x4] =	wrdreg s16  }
0xb7: {  	[dreg:$0x5] =	wrdreg s17  }
0xb8: {  	[dreg:$0x6] =	wrdreg $0x9  }
0xb9: {  	_ =	task.clear_ibuf [dreg:s9], $0x7FFFF;
	_ =	strace $0x90000046  }
0xba: {  	s29 =	simm.s32 $0x9;
	_ =	strace $0x80000048  }
0xbb: {  	_ =	swait.ge [sflag:s29], $0x1  }
0xbc: {  	[sflag:s29] =	ssyncadd.s32 $0xFFFFFFFF  }
0xbd: {  	_ =	strace $0x90000048  }
0xbe: {  	_ =	sfence  }
0xbf: {  	s30 =	sld [smem:$0x0];
	_ =	sdelay $0x2  }
0xc0: {  	s31 =	sshll.u32 s1, $0xD;
	s1 =	sshrl.u32 s1, $0x2  }
0xc1: {  	s3 =	sand.u32 $0x4000, s31;
	s1 =	sadd.s32 s1, s30  }
0xc2: {  	s0 =	sor.u32 s3, s0;
	s1 =	sshll.u32 s1, $0x11  }
0xc3: {  	s0 =	sor.u32 s1, s0  }
0xc4: {  	s0 =	sadd.s32 $0x8F2B, s0  }
0xc5: {  	[sflag:s0] =	ssyncadd.remote.s32 $0x1  }
0xc6: {  	_ =	sfence.sel $0xFFFF  }
0xc7: {  	[dreg:$0x0] =	wrdreg $0xFFFFFFFF;
	(pc) =	sbr.abs _section_cstart, $3  }
0xc8: {  	[dreg:$0x1] =	wrdreg $0xFFFFFFFF  }
0xc9: {  	_ =	task.clear_ibuf [dreg:s9], $0x2FFFF;
	_ =	strace $0x9FFFFFFF  }
0xca: {  	(tm) =	ssettm $0x7FFFFFFF  }
0xcb: {  	_ =	shalt  }
tec
execute0_lowered:
.L_overlay_start_1:
0x0: {  	(tag) =	ssettag $0x1  }
0x1: {  	s0 =	stileid.u32  }
0x2: {  	s1 =	srdreg.scid;
	s2 =	sshll.u32 s0, $0x1  }
0x3: {  	s10 =	sand.u32 $0x1, s1;
	s2 =	sand.u32 $0x2, s2  }
0x4: {  	s4 =	rddreg [dreg:$0x1];
	s3 =	sshrl.u32 s0, $0x1;
	s2 =	sor.u32 s10, s2  }
0x5: {  	s9 =	rddreg [dreg:$0x2];
	s3 =	smul.u32 $0xC8, s3;
	s2 =	sshll.u32 s2, $0x6  }
0x6: {  	s11 =	rddreg [dreg:$0x3];
	s2 =	smin.u32 s2, $0x88  }
0x7: {  	s1 =	rddreg [dreg:$0x0];
	s12 =	sadd.s32 s3, s2  }
0x8: {  	s2 =	rddreg [dreg:$0x4];
	s3 =	simm.s32 $0x0;
	s5 =	sshrl.u32 s12, $0x3  }
0x9: {  	[smem:$0x7FF] =	sst s3;
	s4 =	sadd.s32 s5, s4  }
0xa: {  	_ =	strace $0x80000047;
	s5 =	simm.s32 $0x2;
	s4 =	sadd.s32 $0x800, s4  }
0xb: {  	[tilespmem:s3], [sflag:$0x2] =	stream.linear.gather [hbm4b:s4+s3], $0x40, $0x38;
	[tilespmem:$0x2080] =	vst v63  }
0xc: {  	_ =	swait.ge [sflag:s5], $0x40  }
0xd: {  	s6 =	simm.s32 $0x40;
	s8 =	simm.s32 $0x80;
	[sflag:s5] =	ssyncset.done $0x0  }
0xe: {  	s7 =	simm.s32 $0x1;
	s13 =	ssub.s32 $0x2, s10;
	[sflag:s5] =	ssyncadd.s32 $0xFFFFFFC0  }
0xf: {  	[tilespmem:s8], [sflag:$0x1] =	stream.indirect.gather [hbm4b:s1+s6], $0x80, s3, s6, $0xb8;
	[tilespmem:$0x2080] =	vst v63  }
0x10: {  	s31 =	sshrl.u32 s13, $0x1;
	s12 =	sshll.u32 s12, $0x4;
	_ =	swait.ge [sflag:s7], $0x2000  }
0x11: {  	s10 =	sadd.s32 s11, s12;
	s11 =	ssub.s32 s13, s31;
	[sflag:s7] =	ssyncset.done $0x0  }
0x12: {  	s9 =	sadd.s32 s9, s12;
	s11 =	smax.u32 s11, $0x1;
	[sflag:s7] =	ssyncadd.s32 $0xFFFFE000  }
0x13: {  	[hbm4b:s9+s3] =	stream.linear.scatter [tilespmem:s8], [sflag:$0x1], $0x2000, $0x38;
	[tilespmem:$0x2080] =	vst v63  }
0x14: {  	p0 =	sne.s32 s11, $0x1  }
0x15: {  	[hbm4b:s10+s3] =	stream.linear.scatter [tilespmem:s8], [sflag:$0x1], $0x2000, $0x38;
	[tilespmem:$0x2080] =	vst v63  }
.Ltmp0:
0x16: {  	_ =	swait.ge [sflag:s7], $0x2000;
	(pc) =	sbr.rel @!p0 .LBB2_2-.Ltmp0, $4  }
0x17: {  	[sflag:s7] =	ssyncset.done $0x0  }
0x18: {  	[sflag:s7] =	ssyncadd.s32 $0xFFFFE000  }
0x19: {  	_ =	swait.ge [sflag:s7], $0x2000  }
0x1a: {  	s11 =	sadd.s32 $0xFFFFFFFF, s11;
	[sflag:s7] =	ssyncset.done $0x0  }
.LBB2_1:
0x1b: {  	p0 =	sne.s32 s11, $0x1;
	s11 =	sadd.s32 $0xFFFFFFFF, s11;
	[sflag:s7] =	ssyncadd.s32 $0xFFFFE000  }
0x1c: {  	[tilespmem:s3], [sflag:$0x2] =	stream.linear.gather [hbm4b:s4+s3], $0x40, $0x38;
	[tilespmem:$0x2080] =	vst v63  }
0x1d: {  	_ =	swait.ge [sflag:s5], $0x40  }
0x1e: {  	[sflag:s5] =	ssyncset.done $0x0  }
0x1f: {  	[sflag:s5] =	ssyncadd.s32 $0xFFFFFFC0  }
0x20: {  	[tilespmem:s8], [sflag:$0x1] =	stream.indirect.gather [hbm4b:s1+s6], $0x80, s3, s6, $0xb8;
	[tilespmem:$0x2080] =	vst v63  }
0x21: {  	_ =	swait.ge [sflag:s7], $0x2000  }
0x22: {  	[sflag:s7] =	ssyncset.done $0x0  }
0x23: {  	[sflag:s7] =	ssyncadd.s32 $0xFFFFE000  }
0x24: {  	[hbm4b:s9+s3] =	stream.linear.scatter [tilespmem:s8], [sflag:$0x1], $0x2000, $0x38;
	[tilespmem:$0x2080] =	vst v63  }
0x25: {  	_ = 	snop  }
0x26: {  	[hbm4b:s10+s3] =	stream.linear.scatter [tilespmem:s8], [sflag:$0x1], $0x2000, $0x38;
	[tilespmem:$0x2080] =	vst v63  }
.Ltmp1:
0x27: {  	_ =	swait.ge [sflag:s7], $0x2000;
	(pc) =	sbr.rel @p0 .LBB2_1-.Ltmp1, $4  }
0x28: {  	[sflag:s7] =	ssyncset.done $0x0  }
0x29: {  	[sflag:s7] =	ssyncadd.s32 $0xFFFFE000  }
0x2a: {  	_ =	swait.ge [sflag:s7], $0x2000  }
0x2b: {  	[sflag:s7] =	ssyncset.done $0x0  }
.LBB2_2:
0x2c: {  	[sflag:s7] =	ssyncadd.s32 $0xFFFFE000  }
0x2d: {  	_ =	sfence.sel $0x180000  }
0x2e: {  	[bflag:$0x0] =	sbarrier.arrive $0xFFFF  }
0x2f: {  	p0 =	sne.s32 s0, $0x0;
	_ =	strace $0x90000047  }
0x30: {  	s0 =	sadd.s32 @!p0 $0x100000, s2;
	[bflag:$0x2] =	sbarrier.arrive $0xFFFF  }
0x31: {  	[sflag:s0] =	ssyncadd.tile.s32 @!p0 $0x1;
	_ =	shalt  }
.Lfunc_end2:
_tile_overlayer_lowered:
.L_overlay_start_2:
0x32: {  	(tag) =	ssettag $0x2  }
0x33: {  	s0 =	rddreg [dreg:$0x0];
	s2 =	stileid.u32  }
0x34: {  	s1 =	rddreg [dreg:$0x1];
	p0 =	sne.s32 s2, $0x0  }
0x35: {  	s3 =	rddreg [dreg:$0x2];
	[bflag:$0x3] =	sbarrier.arrive $0xFFFF;
	s2 =	simm.s32 @!p0 $0x1C02  }
0x36: {  	[timem:s3], [sflag:s2] =	dma.local @!p0 [hbm:s0], s1  }
0x37: {  	s0 =	simm.s32 @!p0 $0x2  }
0x38: {  	_ =	swait.ge @!p0 [sflag:s0], s1  }
0x39: {  	s1 =	ssub.s32 @!p0 $0x0, s1;
	[sflag:s0] =	ssyncset.done @!p0 $0x0  }
0x3a: {  	[sflag:s0] =	ssyncadd.s32 @!p0 s1  }
0x3b: {  	[bflag:$0x3] =	sbarrier.arrive $0xFFFF  }
0x3c: {  	_ =	shalt  }

</sc_bundles>
